<compile_context>
chip_gen: v7x
topology: tpu7x:2x2x1
jax: 0.10.2.dev20260603
libtpu: 0.0.44.dev20260713+nightly
codegen_flags: <defaults>
</compile_context>

<pallas_src>
import functools

import jax
import jax.numpy as jnp
from jax import lax
from jax.experimental import pallas as pl
from jax.experimental.pallas import tpu as pltpu
from jax.experimental.pallas import tpu_sc as plsc

_EPS = 1e-6
_NC = 2
_NS = 16


def kernel(x, seg, emb, posemb, segemb, gamma, beta):
    B, L = x.shape
    _, D = emb.shape
    N = B * L
    NW = _NC * _NS
    rows_per_w = N // NW
    C = 320 if rows_per_w % 320 == 0 else rows_per_w
    nchunk = rows_per_w // C
    nv = D // 16

    mesh = plsc.VectorSubcoreMesh(
        core_axis_name="c", subcore_axis_name="s",
        num_cores=_NC, num_subcores=_NS)

    @functools.partial(
        pl.kernel,
        out_type=jax.ShapeDtypeStruct((N, D), jnp.float32),
        mesh=mesh,
        compiler_params=pltpu.CompilerParams(
            needs_layout_passes=False, use_tc_tiling_on_sc=False),
        scratch_types=[
            pltpu.VMEM((C,), jnp.int32),
            pltpu.VMEM((rows_per_w + 16,), jnp.int32),
            pltpu.VMEM((L, D), jnp.float32),
            pltpu.VMEM((2, D), jnp.float32),
            pltpu.VMEM((D,), jnp.float32),
            pltpu.VMEM((D,), jnp.float32),
            pltpu.VMEM((C, D), jnp.float32),
            pltpu.VMEM((C, D), jnp.float32),
            pltpu.SemaphoreType.DMA,
        ],
    )
    def k(x_hbm, seg_hbm, emb_hbm, pos_hbm, segemb_hbm, gamma_hbm, beta_hbm,
          out_hbm, idx_v, seg_v, pos_v, segtab_v, gamma_v, beta_v, rows_v,
          out_v, sem):
        wid = lax.axis_index("s") * _NC + lax.axis_index("c")
        base = wid * rows_per_w
        pltpu.sync_copy(seg_hbm.at[pl.ds(base, rows_per_w)],
                        seg_v.at[pl.ds(0, rows_per_w)])
        pltpu.sync_copy(pos_hbm.at[pl.ds(0, L)], pos_v)
        pltpu.sync_copy(segemb_hbm, segtab_v)
        pltpu.sync_copy(gamma_hbm, gamma_v)
        pltpu.sync_copy(beta_hbm, beta_v)

        g = [gamma_v[pl.ds(16 * j, 16)] for j in range(nv)]
        bt = [beta_v[pl.ds(16 * j, 16)] for j in range(nv)]

        def chunk_body(c, _):
            row0 = pl.multiple_of(c * C, 8)
            pltpu.sync_copy(x_hbm.at[pl.ds(base + row0, C)], idx_v)
            pltpu.async_copy(emb_hbm.at[idx_v], rows_v, sem).wait()

            def row_body(r, _):
                l = lax.rem(base + row0 + r, L)
                s = seg_v[pl.ds(row0 + r, 16)][0]
                e = []
                for j in range(nv):
                    ev = rows_v[r, pl.ds(16 * j, 16)]
                    pv = pos_v[l, pl.ds(16 * j, 16)]
                    sv = segtab_v[s, pl.ds(16 * j, 16)]
                    e.append(ev + pv + sv)
                t = (e[0] + e[1]) + (e[2] + e[3])
                q = (e[0] * e[0] + e[1] * e[1]) + (e[2] * e[2] + e[3] * e[3])
                mean = jnp.sum(t) * (1.0 / D)
                var = jnp.sum(q) * (1.0 / D) - mean * mean
                vv = jnp.full((16,), var + _EPS, jnp.float32)
                iy = plsc.bitcast(vv, jnp.int32)
                y = plsc.bitcast(jnp.int32(0x5F3759DF) - (iy >> 1), jnp.float32)
                for _ in range(3):
                    y = y * (1.5 - 0.5 * vv * y * y)
                for j in range(nv):
                    out_v[r, pl.ds(16 * j, 16)] = (e[j] - mean) * y * g[j] + bt[j]
                return 0

            lax.fori_loop(0, C, row_body, 0)
            pltpu.sync_copy(out_v, out_hbm.at[pl.ds(base + row0, C)])
            return 0

        lax.fori_loop(0, nchunk, chunk_body, 0)

    out = k(x.reshape(-1), seg.reshape(-1), emb, posemb, segemb, gamma, beta)
    return out.reshape(B, L, D)

# --- scband reference (transcript-rebuilt; emitter-appended) ---
"""Pipeline reference for scband-embedding-4681514353039 (READ-ONLY COPY).

The authoritative reference and input builder live on the scoring server;
editing this copy changes nothing except your own understanding.
"""

import jax, jax.numpy as jnp
import numpy as np

VOC = 1000000
DIM = 64
MAXLEN = 512
NSEG = 2
EPS = 1e-06
B = 1024
L = 200


def setup_inputs(seed: int = 0) -> dict:
    key = jax.random.key(seed)
    k1, k2, k3, k4, k5 = jax.random.split(key, 5)
    x = jax.random.randint(k1, (B, L), 0, VOC, dtype=jnp.int64 if jax.config.jax_enable_x64 else jnp.int32)
    seg = jax.random.randint(k2, (B, L), 0, NSEG, dtype=jnp.int64 if jax.config.jax_enable_x64 else jnp.int32)
    emb = jax.random.truncated_normal(k3, -2.0, 2.0, (VOC, DIM), dtype=jnp.float32) * 0.02
    posemb = jax.random.truncated_normal(k4, -2.0, 2.0, (MAXLEN, DIM), dtype=jnp.float32) * 0.02
    segemb = jax.random.truncated_normal(k5, -2.0, 2.0, (NSEG, DIM), dtype=jnp.float32) * 0.02
    gamma = jnp.ones((DIM,), dtype=jnp.float32)
    beta = jnp.zeros((DIM,), dtype=jnp.float32)
    return {"x": x, "seg": seg, "emb": emb, "posemb": posemb, "segemb": segemb, "gamma": gamma, "beta": beta}


def reference(x, seg, emb, posemb, segemb, gamma, beta):
    # p1 = tf.slice(posemb, [0,0], [seq_len, -1])
    seq_len = x.shape[1]
    p1 = posemb[:seq_len]
    # e1 = gather(emb, x) + segemb(seg) + p1
    e1 = jnp.take(emb, x, axis=0) + jnp.take(segemb, seg, axis=0) + p1[None, :, :]
    # LayerNormalization over last axis, eps=1e-6
    mean = jnp.mean(e1, axis=-1, keepdims=True)
    var = jnp.var(e1, axis=-1, keepdims=True)
    out = (e1 - mean) / jnp.sqrt(var + EPS)
    out = out * gamma + beta
    # dropout rate 0.0 -> identity
    return out

if __name__ == "__main__":
    import jax
    _d = setup_inputs()
    print(jax.jit(kernel)(*tuple(_d.values())))

</pallas_src>

<mosaic_0001>
#map = affine_map<(d0, d1) -> (0)>
#map1 = affine_map<(d0, d1) -> (0, 0)>
module attributes {stable_mosaic.version = 14 : i64} {
  func.func @k(%arg0: i32, %arg1: i32, %arg2: memref<204800xi32, #tpu.memory_space<hbm>>, %arg3: memref<204800xi32, #tpu.memory_space<hbm>>, %arg4: memref<1000000x64xf32, #tpu.memory_space<hbm>>, %arg5: memref<512x64xf32, #tpu.memory_space<hbm>>, %arg6: memref<2x64xf32, #tpu.memory_space<hbm>>, %arg7: memref<64xf32, #tpu.memory_space<hbm>>, %arg8: memref<64xf32, #tpu.memory_space<hbm>>, %arg9: memref<204800x64xf32, #tpu.memory_space<hbm>>, %arg10: memref<320xi32, #tpu.memory_space<vmem>>, %arg11: memref<6416xi32, #tpu.memory_space<vmem>>, %arg12: memref<200x64xf32, #tpu.memory_space<vmem>>, %arg13: memref<2x64xf32, #tpu.memory_space<vmem>>, %arg14: memref<64xf32, #tpu.memory_space<vmem>>, %arg15: memref<64xf32, #tpu.memory_space<vmem>>, %arg16: memref<320x64xf32, #tpu.memory_space<vmem>>, %arg17: memref<320x64xf32, #tpu.memory_space<vmem>>, %arg18: memref<!tpu.dma_semaphore, #tpu.memory_space<semaphore_mem>>) attributes {dimension_semantics = [#tpu.dimension_semantics<core_parallel>, #tpu.dimension_semantics<subcore_parallel>], iteration_bounds = array<i64: 2, 16>, scalar_prefetch = 0 : i64, scratch_operands = 9 : i64, tpu.core_type = #tpu.core_type<sc_vector_subcore>, window_params = [{transform_indices = #map}, {transform_indices = #map}, {transform_indices = #map1}, {transform_indices = #map1}, {transform_indices = #map1}, {transform_indices = #map}, {transform_indices = #map}, {transform_indices = #map1}]} {
    %mul3A = arith.constant 2 : i32
    %mul3A_0 = arith.muli %arg1, %mul3A : i32
    %add3A = arith.addi %mul3A_0, %arg0 : i32
    %mul3A_1 = arith.constant 6400 : i32
    %mul3A_2 = arith.muli %add3A, %mul3A_1 : i32
    "tpu.region"() ({
      %run_scoped3A = tpu.sem_alloc : memref<!tpu.dma_semaphore, #tpu.memory_space<semaphore_mem>>
      %dma_start3A = arith.constant 0 : i32
      %dma_start3A_24 = tpu.memref_slice %arg11[%dma_start3A] : memref<6416xi32, #tpu.memory_space<vmem>> -> memref<6400xi32, #tpu.memory_space<vmem>>
      %dma_start3A_25 = tpu.memref_slice %arg3[%mul3A_2] : memref<204800xi32, #tpu.memory_space<hbm>> -> memref<6400xi32, #tpu.memory_space<hbm>>
      %dma_start3A_26 = arith.constant 0 : i32
      %dma_start3A_27 = tpu.memref_slice %arg11[%dma_start3A_26] : memref<6416xi32, #tpu.memory_space<vmem>> -> memref<6400xi32, #tpu.memory_space<vmem>>
      %dma_start3A_28 = tpu.memref_slice %arg3[%mul3A_2] : memref<204800xi32, #tpu.memory_space<hbm>> -> memref<6400xi32, #tpu.memory_space<hbm>>
      tpu.enqueue_dma source(%dma_start3A_28 : memref<6400xi32, #tpu.memory_space<hbm>>) target(%dma_start3A_27 : memref<6400xi32, #tpu.memory_space<vmem>>) target_semaphore(%run_scoped3A : memref<!tpu.dma_semaphore, #tpu.memory_space<semaphore_mem>>)
      %dma_wait3A = arith.constant 0 : i32
      %dma_wait3A_29 = tpu.memref_slice %arg11[%dma_wait3A] : memref<6416xi32, #tpu.memory_space<vmem>> -> memref<6400xi32, #tpu.memory_space<vmem>>
      %dma_wait3A_30 = tpu.memref_slice %arg3[%mul3A_2] : memref<204800xi32, #tpu.memory_space<hbm>> -> memref<6400xi32, #tpu.memory_space<hbm>>
      %dma_wait3A_31 = arith.constant 0 : i32
      %dma_wait3A_32 = tpu.memref_slice %arg11[%dma_wait3A_31] : memref<6416xi32, #tpu.memory_space<vmem>> -> memref<6400xi32, #tpu.memory_space<vmem>>
      %dma_wait3A_33 = tpu.memref_slice %arg3[%mul3A_2] : memref<204800xi32, #tpu.memory_space<hbm>> -> memref<6400xi32, #tpu.memory_space<hbm>>
      tpu.wait_dma2 semaphore(%run_scoped3A : memref<!tpu.dma_semaphore, #tpu.memory_space<semaphore_mem>>) src(%dma_wait3A_33 : memref<6400xi32, #tpu.memory_space<hbm>>) dst(%dma_wait3A_32 : memref<6400xi32, #tpu.memory_space<vmem>>)
      tpu.yield
    }) : () -> ()
    "tpu.region"() ({
      %run_scoped3A = tpu.sem_alloc : memref<!tpu.dma_semaphore, #tpu.memory_space<semaphore_mem>>
      %dma_start3A = arith.constant 0 : i32
      %dma_start3A_24 = arith.constant 0 : i32
      %dma_start3A_25 = tpu.memref_slice %arg5[%dma_start3A, %dma_start3A_24] : memref<512x64xf32, #tpu.memory_space<hbm>> -> memref<200x64xf32, #tpu.memory_space<hbm>>
      %dma_start3A_26 = arith.constant 0 : i32
      %dma_start3A_27 = arith.constant 0 : i32
      %dma_start3A_28 = tpu.memref_slice %arg5[%dma_start3A_26, %dma_start3A_27] : memref<512x64xf32, #tpu.memory_space<hbm>> -> memref<200x64xf32, #tpu.memory_space<hbm>>
      tpu.enqueue_dma source(%dma_start3A_28 : memref<200x64xf32, #tpu.memory_space<hbm>>) target(%arg12 : memref<200x64xf32, #tpu.memory_space<vmem>>) target_semaphore(%run_scoped3A : memref<!tpu.dma_semaphore, #tpu.memory_space<semaphore_mem>>)
      %dma_wait3A = arith.constant 0 : i32
      %dma_wait3A_29 = arith.constant 0 : i32
      %dma_wait3A_30 = tpu.memref_slice %arg5[%dma_wait3A, %dma_wait3A_29] : memref<512x64xf32, #tpu.memory_space<hbm>> -> memref<200x64xf32, #tpu.memory_space<hbm>>
      %dma_wait3A_31 = arith.constant 0 : i32
      %dma_wait3A_32 = arith.constant 0 : i32
      %dma_wait3A_33 = tpu.memref_slice %arg5[%dma_wait3A_31, %dma_wait3A_32] : memref<512x64xf32, #tpu.memory_space<hbm>> -> memref<200x64xf32, #tpu.memory_space<hbm>>
      tpu.wait_dma2 semaphore(%run_scoped3A : memref<!tpu.dma_semaphore, #tpu.memory_space<semaphore_mem>>) src(%dma_wait3A_33 : memref<200x64xf32, #tpu.memory_space<hbm>>) dst(%arg12 : memref<200x64xf32, #tpu.memory_space<vmem>>)
      tpu.yield
    }) : () -> ()
    "tpu.region"() ({
      %run_scoped3A = tpu.sem_alloc : memref<!tpu.dma_semaphore, #tpu.memory_space<semaphore_mem>>
      tpu.enqueue_dma source(%arg6 : memref<2x64xf32, #tpu.memory_space<hbm>>) target(%arg13 : memref<2x64xf32, #tpu.memory_space<vmem>>) target_semaphore(%run_scoped3A : memref<!tpu.dma_semaphore, #tpu.memory_space<semaphore_mem>>)
      tpu.wait_dma2 semaphore(%run_scoped3A : memref<!tpu.dma_semaphore, #tpu.memory_space<semaphore_mem>>) src(%arg6 : memref<2x64xf32, #tpu.memory_space<hbm>>) dst(%arg13 : memref<2x64xf32, #tpu.memory_space<vmem>>)
      tpu.yield
    }) : () -> ()
    "tpu.region"() ({
      %run_scoped3A = tpu.sem_alloc : memref<!tpu.dma_semaphore, #tpu.memory_space<semaphore_mem>>
      tpu.enqueue_dma source(%arg7 : memref<64xf32, #tpu.memory_space<hbm>>) target(%arg14 : memref<64xf32, #tpu.memory_space<vmem>>) target_semaphore(%run_scoped3A : memref<!tpu.dma_semaphore, #tpu.memory_space<semaphore_mem>>)
      tpu.wait_dma2 semaphore(%run_scoped3A : memref<!tpu.dma_semaphore, #tpu.memory_space<semaphore_mem>>) src(%arg7 : memref<64xf32, #tpu.memory_space<hbm>>) dst(%arg14 : memref<64xf32, #tpu.memory_space<vmem>>)
      tpu.yield
    }) : () -> ()
    "tpu.region"() ({
      %run_scoped3A = tpu.sem_alloc : memref<!tpu.dma_semaphore, #tpu.memory_space<semaphore_mem>>
      tpu.enqueue_dma source(%arg8 : memref<64xf32, #tpu.memory_space<hbm>>) target(%arg15 : memref<64xf32, #tpu.memory_space<vmem>>) target_semaphore(%run_scoped3A : memref<!tpu.dma_semaphore, #tpu.memory_space<semaphore_mem>>)
      tpu.wait_dma2 semaphore(%run_scoped3A : memref<!tpu.dma_semaphore, #tpu.memory_space<semaphore_mem>>) src(%arg8 : memref<64xf32, #tpu.memory_space<hbm>>) dst(%arg15 : memref<64xf32, #tpu.memory_space<vmem>>)
      tpu.yield
    }) : () -> ()
    %get3A = arith.constant 0 : index
    %get3A_3 = tpu.vector_load %arg14[%get3A] {strides = array<i32>} : memref<64xf32, #tpu.memory_space<vmem>>, vector<16xf32>,
    %get3A_4 = arith.constant 16 : index
    %get3A_5 = tpu.vector_load %arg14[%get3A_4] {strides = array<i32>} : memref<64xf32, #tpu.memory_space<vmem>>, vector<16xf32>,
    %get3A_6 = arith.constant 32 : index
    %get3A_7 = tpu.vector_load %arg14[%get3A_6] {strides = array<i32>} : memref<64xf32, #tpu.memory_space<vmem>>, vector<16xf32>,
    %get3A_8 = arith.constant 48 : index
    %get3A_9 = tpu.vector_load %arg14[%get3A_8] {strides = array<i32>} : memref<64xf32, #tpu.memory_space<vmem>>, vector<16xf32>,
    %get3A_10 = arith.constant 0 : index
    %get3A_11 = tpu.vector_load %arg15[%get3A_10] {strides = array<i32>} : memref<64xf32, #tpu.memory_space<vmem>>, vector<16xf32>,
    %get3A_12 = arith.constant 16 : index
    %get3A_13 = tpu.vector_load %arg15[%get3A_12] {strides = array<i32>} : memref<64xf32, #tpu.memory_space<vmem>>, vector<16xf32>,
    %get3A_14 = arith.constant 32 : index
    %get3A_15 = tpu.vector_load %arg15[%get3A_14] {strides = array<i32>} : memref<64xf32, #tpu.memory_space<vmem>>, vector<16xf32>,
    %get3A_16 = arith.constant 48 : index
    %get3A_17 = tpu.vector_load %arg15[%get3A_16] {strides = array<i32>} : memref<64xf32, #tpu.memory_space<vmem>>, vector<16xf32>,
    %scan3A = arith.constant 0 : i32
    %scan3A_18 = arith.constant 0 : i32
    %scan3A_19 = arith.constant 20 : i32
    %scan3A_20 = arith.addi %scan3A_18, %scan3A_19 : i32
    %scan3A_21 = arith.constant 1 : i32
    %scan3A_22 = scf.for %scan3A_24 = %scan3A_18 to %scan3A_20 step %scan3A_21 iter_args(%scan3A_25 = %scan3A) -> (i32)  : i32 {
      %mul3A_26 = arith.constant 320 : i32
      %mul3A_27 = arith.muli %scan3A_24, %mul3A_26 : i32
      %multiple_of3A = tpu.assume_multiple %mul3A_27, 8 : i32
      %add3A_28 = arith.addi %mul3A_2, %multiple_of3A : i32
      "tpu.region"() ({
        %run_scoped3A = tpu.sem_alloc : memref<!tpu.dma_semaphore, #tpu.memory_space<semaphore_mem>>
        %dma_start3A_42 = tpu.memref_slice %arg2[%add3A_28] : memref<204800xi32, #tpu.memory_space<hbm>> -> memref<320xi32, #tpu.memory_space<hbm>>
        %dma_start3A_43 = tpu.memref_slice %arg2[%add3A_28] : memref<204800xi32, #tpu.memory_space<hbm>> -> memref<320xi32, #tpu.memory_space<hbm>>
        tpu.enqueue_dma source(%dma_start3A_43 : memref<320xi32, #tpu.memory_space<hbm>>) target(%arg10 : memref<320xi32, #tpu.memory_space<vmem>>) target_semaphore(%run_scoped3A : memref<!tpu.dma_semaphore, #tpu.memory_space<semaphore_mem>>)
        %dma_wait3A_44 = tpu.memref_slice %arg2[%add3A_28] : memref<204800xi32, #tpu.memory_space<hbm>> -> memref<320xi32, #tpu.memory_space<hbm>>
        %dma_wait3A_45 = tpu.memref_slice %arg2[%add3A_28] : memref<204800xi32, #tpu.memory_space<hbm>> -> memref<320xi32, #tpu.memory_space<hbm>>
        tpu.wait_dma2 semaphore(%run_scoped3A : memref<!tpu.dma_semaphore, #tpu.memory_space<semaphore_mem>>) src(%dma_wait3A_45 : memref<320xi32, #tpu.memory_space<hbm>>) dst(%arg10 : memref<320xi32, #tpu.memory_space<vmem>>)
        tpu.yield
      }) : () -> ()
      %dma_start3A = arith.constant 0 : i32
      %dma_start3A_29 = arith.constant 0 : i32
      %dma_start3A_30 = tpu.memref_slice %arg4[%dma_start3A, %dma_start3A_29] : memref<1000000x64xf32, #tpu.memory_space<hbm>> -> memref<1000000x64xf32, #tpu.memory_space<hbm>>
      tpu.enqueue_indirect_dma source(%dma_start3A_30 : memref<1000000x64xf32, #tpu.memory_space<hbm>>) target(%arg16 : memref<320x64xf32, #tpu.memory_space<vmem>>) offsets(%arg10 : memref<320xi32, #tpu.memory_space<vmem>>) semaphore(%arg18 : memref<!tpu.dma_semaphore, #tpu.memory_space<semaphore_mem>>)
      %dma_wait3A = arith.constant 0 : i32
      %dma_wait3A_31 = arith.constant 0 : i32
      %dma_wait3A_32 = tpu.memref_slice %arg4[%dma_wait3A, %dma_wait3A_31] : memref<1000000x64xf32, #tpu.memory_space<hbm>> -> memref<1000000x64xf32, #tpu.memory_space<hbm>>
      tpu.wait_indirect_dma semaphore(%arg18 : memref<!tpu.dma_semaphore, #tpu.memory_space<semaphore_mem>>) src(%dma_wait3A_32 : memref<1000000x64xf32, #tpu.memory_space<hbm>>) dst(%arg16 : memref<320x64xf32, #tpu.memory_space<vmem>>)
      %scan3A_33 = arith.constant 0 : i32
      %scan3A_34 = arith.constant 0 : i32
      %scan3A_35 = arith.constant 320 : i32
      %scan3A_36 = arith.addi %scan3A_34, %scan3A_35 : i32
      %scan3A_37 = arith.constant 1 : i32
      %scan3A_38 = scf.for %scan3A_42 = %scan3A_34 to %scan3A_36 step %scan3A_37 iter_args(%scan3A_43 = %scan3A_33) -> (i32)  : i32 {
        %add3A_44 = arith.addi %mul3A_2, %multiple_of3A : i32
        %add3A_45 = arith.addi %add3A_44, %scan3A_42 : i32
        %rem3A = arith.constant 200 : i32
        %rem3A_46 = arith.remsi %add3A_45, %rem3A : i32
        %add3A_47 = arith.addi %multiple_of3A, %scan3A_42 : i32
        %get3A_48 = arith.index_cast %add3A_47 : i32 to index
        %get3A_49 = tpu.vector_load %arg11[%get3A_48] {strides = array<i32>} : memref<6416xi32, #tpu.memory_space<vmem>>, vector<16xi32>,
        %slice3A = vector.extract_strided_slice %get3A_49 {offsets = [0], sizes = [1], strides = [1]} : vector<16xi32> to vector<1xi32>
        %squeeze3A = vector.extract %slice3A[0] : i32 from vector<1xi32>
        %get3A_50 = arith.index_cast %scan3A_42 : i32 to index
        %get3A_51 = arith.constant 0 : index
        %get3A_52 = tpu.vector_load %arg16[%get3A_50, %get3A_51] {strides = array<i32>} : memref<320x64xf32, #tpu.memory_space<vmem>>, vector<16xf32>,
        %get3A_53 = arith.index_cast %rem3A_46 : i32 to index
        %get3A_54 = arith.constant 0 : index
        %get3A_55 = tpu.vector_load %arg12[%get3A_53, %get3A_54] {strides = array<i32>} : memref<200x64xf32, #tpu.memory_space<vmem>>, vector<16xf32>,
        %get3A_56 = arith.index_cast %squeeze3A : i32 to index
        %get3A_57 = arith.constant 0 : index
        %get3A_58 = tpu.vector_load %arg13[%get3A_56, %get3A_57] {strides = array<i32>} : memref<2x64xf32, #tpu.memory_space<vmem>>, vector<16xf32>,
        %add3A_59 = arith.addf %get3A_52, %get3A_55 : vector<16xf32>
        %add3A_60 = arith.addf %add3A_59, %get3A_58 : vector<16xf32>
        %get3A_61 = arith.index_cast %scan3A_42 : i32 to index
        %get3A_62 = arith.constant 16 : index
        %get3A_63 = tpu.vector_load %arg16[%get3A_61, %get3A_62] {strides = array<i32>} : memref<320x64xf32, #tpu.memory_space<vmem>>, vector<16xf32>,
        %get3A_64 = arith.index_cast %rem3A_46 : i32 to index
        %get3A_65 = arith.constant 16 : index
        %get3A_66 = tpu.vector_load %arg12[%get3A_64, %get3A_65] {strides = array<i32>} : memref<200x64xf32, #tpu.memory_space<vmem>>, vector<16xf32>,
        %get3A_67 = arith.index_cast %squeeze3A : i32 to index
        %get3A_68 = arith.constant 16 : index
        %get3A_69 = tpu.vector_load %arg13[%get3A_67, %get3A_68] {strides = array<i32>} : memref<2x64xf32, #tpu.memory_space<vmem>>, vector<16xf32>,
        %add3A_70 = arith.addf %get3A_63, %get3A_66 : vector<16xf32>
        %add3A_71 = arith.addf %add3A_70, %get3A_69 : vector<16xf32>
        %get3A_72 = arith.index_cast %scan3A_42 : i32 to index
        %get3A_73 = arith.constant 32 : index
        %get3A_74 = tpu.vector_load %arg16[%get3A_72, %get3A_73] {strides = array<i32>} : memref<320x64xf32, #tpu.memory_space<vmem>>, vector<16xf32>,
        %get3A_75 = arith.index_cast %rem3A_46 : i32 to index
        %get3A_76 = arith.constant 32 : index
        %get3A_77 = tpu.vector_load %arg12[%get3A_75, %get3A_76] {strides = array<i32>} : memref<200x64xf32, #tpu.memory_space<vmem>>, vector<16xf32>,
        %get3A_78 = arith.index_cast %squeeze3A : i32 to index
        %get3A_79 = arith.constant 32 : index
        %get3A_80 = tpu.vector_load %arg13[%get3A_78, %get3A_79] {strides = array<i32>} : memref<2x64xf32, #tpu.memory_space<vmem>>, vector<16xf32>,
        %add3A_81 = arith.addf %get3A_74, %get3A_77 : vector<16xf32>
        %add3A_82 = arith.addf %add3A_81, %get3A_80 : vector<16xf32>
        %get3A_83 = arith.index_cast %scan3A_42 : i32 to index
        %get3A_84 = arith.constant 48 : index
        %get3A_85 = tpu.vector_load %arg16[%get3A_83, %get3A_84] {strides = array<i32>} : memref<320x64xf32, #tpu.memory_space<vmem>>, vector<16xf32>,
        %get3A_86 = arith.index_cast %rem3A_46 : i32 to index
        %get3A_87 = arith.constant 48 : index
        %get3A_88 = tpu.vector_load %arg12[%get3A_86, %get3A_87] {strides = array<i32>} : memref<200x64xf32, #tpu.memory_space<vmem>>, vector<16xf32>,
        %get3A_89 = arith.index_cast %squeeze3A : i32 to index
        %get3A_90 = arith.constant 48 : index
        %get3A_91 = tpu.vector_load %arg13[%get3A_89, %get3A_90] {strides = array<i32>} : memref<2x64xf32, #tpu.memory_space<vmem>>, vector<16xf32>,
        %add3A_92 = arith.addf %get3A_85, %get3A_88 : vector<16xf32>
        %add3A_93 = arith.addf %add3A_92, %get3A_91 : vector<16xf32>
        %add3A_94 = arith.addf %add3A_60, %add3A_71 : vector<16xf32>
        %add3A_95 = arith.addf %add3A_82, %add3A_93 : vector<16xf32>
        %add3A_96 = arith.addf %add3A_94, %add3A_95 : vector<16xf32>
        %mul3A_97 = arith.mulf %add3A_60, %add3A_60 : vector<16xf32>
        %mul3A_98 = arith.mulf %add3A_71, %add3A_71 : vector<16xf32>
        %add3A_99 = arith.addf %mul3A_97, %mul3A_98 : vector<16xf32>
        %mul3A_100 = arith.mulf %add3A_82, %add3A_82 : vector<16xf32>
        %mul3A_101 = arith.mulf %add3A_93, %add3A_93 : vector<16xf32>
        %add3A_102 = arith.addf %mul3A_100, %mul3A_101 : vector<16xf32>
        %add3A_103 = arith.addf %add3A_99, %add3A_102 : vector<16xf32>
        %reduce_sum3A = arith.constant true
        %reduce_sum3A_104 = vector.broadcast %reduce_sum3A : i1 to vector<16xi1>
        %reduce_sum3A_105 = tpu.scan <sum>, %add3A_96 masked %reduce_sum3A_104 : vector<16xf32>, vector<16xi1> -> vector<16xf32>
        %reduce_sum3A_106 = vector.extract %reduce_sum3A_105[15] : f32 from vector<16xf32>
        %mul3A_107 = arith.constant 1.562500e-02 : f32
        %mul3A_108 = arith.mulf %reduce_sum3A_106, %mul3A_107 : f32
        %reduce_sum3A_109 = arith.constant true
        %reduce_sum3A_110 = vector.broadcast %reduce_sum3A_109 : i1 to vector<16xi1>
        %reduce_sum3A_111 = tpu.scan <sum>, %add3A_103 masked %reduce_sum3A_110 : vector<16xf32>, vector<16xi1> -> vector<16xf32>
        %reduce_sum3A_112 = vector.extract %reduce_sum3A_111[15] : f32 from vector<16xf32>
        %mul3A_113 = arith.constant 1.562500e-02 : f32
        %mul3A_114 = arith.mulf %reduce_sum3A_112, %mul3A_113 : f32
        %mul3A_115 = arith.mulf %mul3A_108, %mul3A_108 : f32
        %sub3A = arith.subf %mul3A_114, %mul3A_115 : f32
        %add3A_116 = arith.constant 9.99999997E-7 : f32
        %add3A_117 = arith.addf %sub3A, %add3A_116 : f32
        %broadcast_in_dim3A = vector.broadcast %add3A_117 : f32 to vector<16xf32>
        %bitcast3A = vector.bitcast %broadcast_in_dim3A : vector<16xf32> to vector<16xi32>
        %shift_right_arithmetic3A = arith.constant 1 : i32
        %shift_right_arithmetic3A_118 = vector.broadcast %shift_right_arithmetic3A : i32 to vector<16xi32>
        %shift_right_arithmetic3A_119 = arith.shrsi %bitcast3A, %shift_right_arithmetic3A_118 : vector<16xi32>
        %sub3A_120 = arith.constant 1597463007 : i32
        %sub3A_121 = vector.broadcast %sub3A_120 : i32 to vector<16xi32>
        %sub3A_122 = arith.subi %sub3A_121, %shift_right_arithmetic3A_119 : vector<16xi32>
        %bitcast3A_123 = vector.bitcast %sub3A_122 : vector<16xi32> to vector<16xf32>
        %mul3A_124 = arith.constant 5.000000e-01 : f32
        %mul3A_125 = vector.broadcast %mul3A_124 : f32 to vector<16xf32>
        %mul3A_126 = arith.mulf %mul3A_125, %broadcast_in_dim3A : vector<16xf32>
        %mul3A_127 = arith.mulf %mul3A_126, %bitcast3A_123 : vector<16xf32>
        %mul3A_128 = arith.mulf %mul3A_127, %bitcast3A_123 : vector<16xf32>
        %sub3A_129 = arith.constant 1.500000e+00 : f32
        %sub3A_130 = vector.broadcast %sub3A_129 : f32 to vector<16xf32>
        %sub3A_131 = arith.subf %sub3A_130, %mul3A_128 : vector<16xf32>
        %mul3A_132 = arith.mulf %bitcast3A_123, %sub3A_131 : vector<16xf32>
        %mul3A_133 = arith.constant 5.000000e-01 : f32
        %mul3A_134 = vector.broadcast %mul3A_133 : f32 to vector<16xf32>
        %mul3A_135 = arith.mulf %mul3A_134, %broadcast_in_dim3A : vector<16xf32>
        %mul3A_136 = arith.mulf %mul3A_135, %mul3A_132 : vector<16xf32>
        %mul3A_137 = arith.mulf %mul3A_136, %mul3A_132 : vector<16xf32>
        %sub3A_138 = arith.constant 1.500000e+00 : f32
        %sub3A_139 = vector.broadcast %sub3A_138 : f32 to vector<16xf32>
        %sub3A_140 = arith.subf %sub3A_139, %mul3A_137 : vector<16xf32>
        %mul3A_141 = arith.mulf %mul3A_132, %sub3A_140 : vector<16xf32>
        %mul3A_142 = arith.constant 5.000000e-01 : f32
        %mul3A_143 = vector.broadcast %mul3A_142 : f32 to vector<16xf32>
        %mul3A_144 = arith.mulf %mul3A_143, %broadcast_in_dim3A : vector<16xf32>
        %mul3A_145 = arith.mulf %mul3A_144, %mul3A_141 : vector<16xf32>
        %mul3A_146 = arith.mulf %mul3A_145, %mul3A_141 : vector<16xf32>
        %sub3A_147 = arith.constant 1.500000e+00 : f32
        %sub3A_148 = vector.broadcast %sub3A_147 : f32 to vector<16xf32>
        %sub3A_149 = arith.subf %sub3A_148, %mul3A_146 : vector<16xf32>
        %mul3A_150 = arith.mulf %mul3A_141, %sub3A_149 : vector<16xf32>
        %sub3A_151 = vector.broadcast %mul3A_108 : f32 to vector<16xf32>
        %sub3A_152 = arith.subf %add3A_60, %sub3A_151 : vector<16xf32>
        %mul3A_153 = arith.mulf %sub3A_152, %mul3A_150 : vector<16xf32>
        %mul3A_154 = arith.mulf %mul3A_153, %get3A_3 : vector<16xf32>
        %add3A_155 = arith.addf %mul3A_154, %get3A_11 : vector<16xf32>
        %swap3A = arith.index_cast %scan3A_42 : i32 to index
        %swap3A_156 = arith.constant 0 : index
        %swap3A_157 = tpu.vector_load %arg17[%swap3A, %swap3A_156] {strides = array<i32>} : memref<320x64xf32, #tpu.memory_space<vmem>>, vector<16xf32>,
        tpu.vector_store %arg17[%swap3A, %swap3A_156], %add3A_155 {strides = array<i32>} : memref<320x64xf32, #tpu.memory_space<vmem>>, vector<16xf32>,
        %sub3A_158 = vector.broadcast %mul3A_108 : f32 to vector<16xf32>
        %sub3A_159 = arith.subf %add3A_71, %sub3A_158 : vector<16xf32>
        %mul3A_160 = arith.mulf %sub3A_159, %mul3A_150 : vector<16xf32>
        %mul3A_161 = arith.mulf %mul3A_160, %get3A_5 : vector<16xf32>
        %add3A_162 = arith.addf %mul3A_161, %get3A_13 : vector<16xf32>
        %swap3A_163 = arith.index_cast %scan3A_42 : i32 to index
        %swap3A_164 = arith.constant 16 : index
        %swap3A_165 = tpu.vector_load %arg17[%swap3A_163, %swap3A_164] {strides = array<i32>} : memref<320x64xf32, #tpu.memory_space<vmem>>, vector<16xf32>,
        tpu.vector_store %arg17[%swap3A_163, %swap3A_164], %add3A_162 {strides = array<i32>} : memref<320x64xf32, #tpu.memory_space<vmem>>, vector<16xf32>,
        %sub3A_166 = vector.broadcast %mul3A_108 : f32 to vector<16xf32>
        %sub3A_167 = arith.subf %add3A_82, %sub3A_166 : vector<16xf32>
        %mul3A_168 = arith.mulf %sub3A_167, %mul3A_150 : vector<16xf32>
        %mul3A_169 = arith.mulf %mul3A_168, %get3A_7 : vector<16xf32>
        %add3A_170 = arith.addf %mul3A_169, %get3A_15 : vector<16xf32>
        %swap3A_171 = arith.index_cast %scan3A_42 : i32 to index
        %swap3A_172 = arith.constant 32 : index
        %swap3A_173 = tpu.vector_load %arg17[%swap3A_171, %swap3A_172] {strides = array<i32>} : memref<320x64xf32, #tpu.memory_space<vmem>>, vector<16xf32>,
        tpu.vector_store %arg17[%swap3A_171, %swap3A_172], %add3A_170 {strides = array<i32>} : memref<320x64xf32, #tpu.memory_space<vmem>>, vector<16xf32>,
        %sub3A_174 = vector.broadcast %mul3A_108 : f32 to vector<16xf32>
        %sub3A_175 = arith.subf %add3A_93, %sub3A_174 : vector<16xf32>
        %mul3A_176 = arith.mulf %sub3A_175, %mul3A_150 : vector<16xf32>
        %mul3A_177 = arith.mulf %mul3A_176, %get3A_9 : vector<16xf32>
        %add3A_178 = arith.addf %mul3A_177, %get3A_17 : vector<16xf32>
        %swap3A_179 = arith.index_cast %scan3A_42 : i32 to index
        %swap3A_180 = arith.constant 48 : index
        %swap3A_181 = tpu.vector_load %arg17[%swap3A_179, %swap3A_180] {strides = array<i32>} : memref<320x64xf32, #tpu.memory_space<vmem>>, vector<16xf32>,
        tpu.vector_store %arg17[%swap3A_179, %swap3A_180], %add3A_178 {strides = array<i32>} : memref<320x64xf32, #tpu.memory_space<vmem>>, vector<16xf32>,
        %scan3A_182 = arith.constant 0 : i32
        scf.yield %scan3A_182 : i32
      }
      %scan3A_39 = arith.constant 320 : i32
      %add3A_40 = arith.addi %mul3A_2, %multiple_of3A : i32
      "tpu.region"() ({
        %run_scoped3A = tpu.sem_alloc : memref<!tpu.dma_semaphore, #tpu.memory_space<semaphore_mem>>
        %dma_start3A_42 = arith.constant 0 : i32
        %dma_start3A_43 = tpu.memref_slice %arg9[%add3A_40, %dma_start3A_42] : memref<204800x64xf32, #tpu.memory_space<hbm>> -> memref<320x64xf32, #tpu.memory_space<hbm>>
        %dma_start3A_44 = arith.constant 0 : i32
        %dma_start3A_45 = tpu.memref_slice %arg9[%add3A_40, %dma_start3A_44] : memref<204800x64xf32, #tpu.memory_space<hbm>> -> memref<320x64xf32, #tpu.memory_space<hbm>>
        tpu.enqueue_dma source(%arg17 : memref<320x64xf32, #tpu.memory_space<vmem>>) target(%dma_start3A_45 : memref<320x64xf32, #tpu.memory_space<hbm>>) target_semaphore(%run_scoped3A : memref<!tpu.dma_semaphore, #tpu.memory_space<semaphore_mem>>)
        %dma_wait3A_46 = arith.constant 0 : i32
        %dma_wait3A_47 = tpu.memref_slice %arg9[%add3A_40, %dma_wait3A_46] : memref<204800x64xf32, #tpu.memory_space<hbm>> -> memref<320x64xf32, #tpu.memory_space<hbm>>
        %dma_wait3A_48 = arith.constant 0 : i32
        %dma_wait3A_49 = tpu.memref_slice %arg9[%add3A_40, %dma_wait3A_48] : memref<204800x64xf32, #tpu.memory_space<hbm>> -> memref<320x64xf32, #tpu.memory_space<hbm>>
        tpu.wait_dma2 semaphore(%run_scoped3A : memref<!tpu.dma_semaphore, #tpu.memory_space<semaphore_mem>>) src(%arg17 : memref<320x64xf32, #tpu.memory_space<vmem>>) dst(%dma_wait3A_49 : memref<320x64xf32, #tpu.memory_space<hbm>>)
        tpu.yield
      }) : () -> ()
      %scan3A_41 = arith.constant 0 : i32
      scf.yield %scan3A_41 : i32
    }
    %scan3A_23 = arith.constant 20 : i32
    return
  }
}

</mosaic_0001>

<sc_bundles>
// kernel: kernel.3.cloned.1.call-start
scs
__scs_entry_jumppad:
0x0: {  	(pc) =	sbr.rel $0x88, $3  }
0x1: {  	(tag) =	ssettag $0x0;
	lr =	simm.s32 $0x1  }
0x2: {  	[smem:$0x3F9A] =	sst lr;
	_ =	strace $0xD0000000  }
0x3: {  	_ = 	snop  }
0x4: {  	_ = 	snop  }
0x5: {  	_ = 	snop  }
0x6: {  	_ = 	snop  }
0x7: {  	_ = 	snop  }
__scs_overlays_trampoline_lowered:
0x8: {  	[smem:$0x3FA9] =	sst s0  }
0x9: {  	[smem:$0x3FAA] =	sst s1  }
0xa: {  	[smem:$0x3FAB] =	sst s2  }
0xb: {  	[smem:$0x3FAC] =	sst s3  }
0xc: {  	[smem:$0x3FAD] =	sst s4  }
0xd: {  	[smem:$0x3FAE] =	sst s5  }
0xe: {  	[smem:$0x3FAF] =	sst s6  }
0xf: {  	[smem:$0x3FB0] =	sst s7  }
0x10: {  	[smem:$0x3FB1] =	sst s8  }
0x11: {  	[smem:$0x3FB2] =	sst s9;
	s0 =	simm.s32 @!p0 $0x0  }
0x12: {  	s1 =	sld [smem:$0x3F98];
	s0 =	simm.s32 @p0 $0x1  }
0x13: {  	[smem:$0x3FB3] =	sst s0;
	s0 =	simm.s32 @!p1 $0x0  }
0x14: {  	s2 =	sld [smem:$0x3F97];
	s0 =	simm.s32 @p1 $0x1  }
0x15: {  	[smem:$0x3FB4] =	sst s0;
	s0 =	simm.s32 @!p2 $0x0  }
0x16: {  	s3 =	sld [smem:$0x3FDB];
	s0 =	simm.s32 @p2 $0x1  }
0x17: {  	s4 =	simm.s32 $0x1BF5;
	[smem:$0x3FB6] =	sst s0  }
0x18: {  	s0 =	sld [smem:$0x3F99];
	_ =	swait.ge [sflag:s4], $0x0  }
0x19: {  	s7 =	sld [smem:$0x3F9A]  }
0x1a: {  	s8 =	sadd.s32 $0xFFFFE003, lr  }
0x1b: {  	s9 =	sadd.s32 $0xFFFFFEF7, lr;
	s5 =	simm.s32 $0xFFFFFFFF;
	p2 =	slt.u32 s8, $0xFFFFF086  }
0x1c: {  	p1 =	slt.u32 s9, $0xF7A;
	s5 =	simm.s32 @!p2 $0x0  }
0x1d: {  	s5 =	simm.s32 @p1 $0x1;
	p0 =	seq.s32 s7, s2  }
0x1e: {  	s7 =	smul.u32 @!p0 $0xF7A, s2;
	p2 =	seq.s32 @!p0 s5, $0x0  }
0x1f: {  	s9 =	smul.u32 $0xF7A, s1;
	s8 =	simm.s32 @!p0 $0x1BF5;
	p2 =	por !p2, p0  }
0x20: {  	[sflag:s8] =	ssyncset.s32 @!p0 $0xFFFFF086;
	s6 =	sadd.s32 @!p0 s3, s7;
	s7 =	simm.s32 @!p0 $0x108  }
0x21: {  	s3 =	sadd.s32 s3, s9;
	s6 =	sadd.s32 @!p0 $0x88, s6;
	s7 =	simm.s32 @p2 $0x1082  }
0x22: {  	[simem:s7], [sflag:s8] =	dma.local @!p0 [hbm:s6], $0xF7A  }
0x23: {  	s9 =	sor.u32 $0xD0000000, s2;
	s6 =	simm.s32 $0x108;
	_ =	swait.ge @!p0 [sflag:s8], $0x0  }
0x24: {  	s3 =	sadd.s32 $0x88, s3;
	s6 =	simm.s32 @!p1 $0x1082;
	[sflag:s4] =	ssyncset.s32 $0xFFFFF086  }
0x25: {  	[simem:s6], [sflag:s4] =	dma.local [hbm:s3], $0xF7A  }
0x26: {  	[smem:$0x3F9A] =	sst s1;
	(tag) =	ssettag s2;
	_ =	strace s9  }
0x27: {  	s1 =	sld [smem:$0x3FAA]  }
0x28: {  	s2 =	sld [smem:$0x3FAB]  }
0x29: {  	s4 =	sld [smem:$0x3FAD]  }
0x2a: {  	p0 =	seq.s32 s5, $0x0;
	s5 =	sld [smem:$0x3FAE]  }
0x2b: {  	s6 =	sld [smem:$0x3FAF]  }
0x2c: {  	s7 =	sld [smem:$0x3FB0]  }
0x2d: {  	s3 =	simm.s32 $0x108;
	s8 =	sld [smem:$0x3FB1]  }
0x2e: {  	s3 =	simm.s32 @!p0 $0x1082;
	s9 =	sld [smem:$0x3FB2]  }
0x2f: {  	lr =	sadd.s32 s0, s3;
	s0 =	sld [smem:$0x3FA9]  }
0x30: {  	s3 =	sld [smem:$0x3FAC]  }
0x31: {  	[smem:$0x3FB5] =	sst s10  }
0x32: {  	s10 =	sld [smem:$0x3FB3];
	_ =	sdelay $0x3  }
0x33: {  	p0 =	seq.s32 s10, $0x1;
	s10 =	sld [smem:$0x3FB5];
	_ =	sdelay $0x3  }
0x34: {  	[smem:$0x3FB5] =	sst s10  }
0x35: {  	s10 =	sld [smem:$0x3FB4];
	_ =	sdelay $0x3  }
0x36: {  	p1 =	seq.s32 s10, $0x1;
	s10 =	sld [smem:$0x3FB5];
	_ =	sdelay $0x3  }
0x37: {  	[smem:$0x3FB5] =	sst s10  }
0x38: {  	s10 =	sld [smem:$0x3FB6]  }
0x39: {  	_ = 	snop;
	(pc) =	sbr.ind lr, $3  }
0x3a: {  	_ = 	snop  }
0x3b: {  	_ = 	snop  }
0x3c: {  	p2 =	seq.s32 s10, $0x1;
	s10 =	sld [smem:$0x3FB5]  }
0x3d: {  	_ =	shalt  }
0x3e: {  	_ =	shalt  }
0x3f: {  	_ =	shalt  }
0x40: {  	_ =	shalt  }
0x41: {  	_ =	shalt  }
0x42: {  	_ =	shalt  }
0x43: {  	_ =	shalt  }
0x44: {  	_ =	shalt  }
0x45: {  	_ =	shalt  }
0x46: {  	_ =	shalt  }
0x47: {  	_ =	shalt  }
0x48: {  	_ =	shalt  }
0x49: {  	_ =	shalt  }
0x4a: {  	_ =	shalt  }
0x4b: {  	_ =	shalt  }
0x4c: {  	_ =	shalt  }
0x4d: {  	_ =	shalt  }
0x4e: {  	_ =	shalt  }
0x4f: {  	_ =	shalt  }
0x50: {  	_ =	shalt  }
0x51: {  	_ =	shalt  }
0x52: {  	_ =	shalt  }
0x53: {  	_ =	shalt  }
0x54: {  	_ =	shalt  }
0x55: {  	_ =	shalt  }
0x56: {  	_ =	shalt  }
0x57: {  	_ =	shalt  }
0x58: {  	_ =	shalt  }
0x59: {  	_ =	shalt  }
0x5a: {  	_ =	shalt  }
0x5b: {  	_ =	shalt  }
0x5c: {  	_ =	shalt  }
0x5d: {  	_ =	shalt  }
0x5e: {  	_ =	shalt  }
0x5f: {  	_ =	shalt  }
0x60: {  	_ =	shalt  }
0x61: {  	_ =	shalt  }
0x62: {  	_ =	shalt  }
0x63: {  	_ =	shalt  }
0x64: {  	_ =	shalt  }
0x65: {  	_ =	shalt  }
0x66: {  	_ =	shalt  }
0x67: {  	_ =	shalt  }
0x68: {  	_ =	shalt  }
0x69: {  	_ =	shalt  }
0x6a: {  	_ =	shalt  }
0x6b: {  	_ =	shalt  }
0x6c: {  	_ =	shalt  }
0x6d: {  	_ =	shalt  }
0x6e: {  	_ =	shalt  }
0x6f: {  	_ =	shalt  }
0x70: {  	_ =	shalt  }
0x71: {  	_ =	shalt  }
0x72: {  	_ =	shalt  }
0x73: {  	_ =	shalt  }
0x74: {  	_ =	shalt  }
0x75: {  	_ =	shalt  }
0x76: {  	_ =	shalt  }
0x77: {  	_ =	shalt  }
0x78: {  	_ =	shalt  }
0x79: {  	_ =	shalt  }
0x7a: {  	_ =	shalt  }
0x7b: {  	_ =	shalt  }
0x7c: {  	_ =	shalt  }
0x7d: {  	_ =	shalt  }
0x7e: {  	_ =	shalt  }
0x7f: {  	_ =	shalt  }
0x80: {  	_ =	shalt  }
0x81: {  	_ =	shalt  }
0x82: {  	_ =	shalt  }
0x83: {  	_ =	shalt  }
0x84: {  	_ =	shalt  }
0x85: {  	_ =	shalt  }
0x86: {  	_ =	shalt  }
0x87: {  	_ =	shalt  }
.Lfunc_end0:
.L_simem_size_0:
called_computation.1_lowered:
.L_overlay_start_0:
0x88: {  	s2 =	sld [smem:$0x3FD9]  }
0x89: {  	s3 =	sld [smem:$0x3FFE];
	_ =	sdelay $0x1  }
0x8a: {  	s1 =	srdreg.scid  }
0x8b: {  	s0 =	sand.u32 $0x1, s1  }
0x8c: {  	s17 =	sshll.u32 s0, $0xA;
	s2 =	sadd.s32 s3, s2  }
0x8d: {  	s2 =	sadd.s32 s2, s17  }
0x8e: {  	[smem:$0x3FC1] =	sst s2  }
0x8f: {  	_ = 	snop  }
0x90: {  	s2 =	sld [smem:$0x3FC4]  }
0x91: {  	s18 =	sld [smem:$0x3FC3]  }
0x92: {  	s4 =	sld [smem:$0x3FD0];
	(tm) =	ssettm $0x1  }
0x93: {  	s5 =	sld [smem:$0x3FFB];
	_ =	sdelay $0x3  }
0x94: {  	_ =	strace s5  }
0x95: {  	s5 =	sld [smem:$0x3FFC];
	_ =	sdelay $0x3  }
0x96: {  	_ =	strace s5  }
0x97: {  	s5 =	sld [smem:$0x3FFD];
	_ =	sdelay $0x3  }
0x98: {  	_ =	strace s5  }
0x99: {  	_ =	strace $0x8FFFFFFF  }
0x9a: {  	s19 =	sld [smem:$0x3FDB];
	_ =	sdelay $0x1  }
0x9b: {  	s6 =	simm.s32 $_scs_section_size  }
0x9c: {  	s7 =	simm.s32 $_size__tile_overlayer_lowered;
	s8 =	simm.s32 $_tile_overlayer_lowered  }
0x9d: {  	s22 =	simm.s32 $0x1BFF;
	s21 =	sshll.u32 s8, $0x1;
	s5 =	sadd.s32 s6, s19  }
0x9e: {  	s9 =	simm.s32 $0x0;
	s20 =	sshll.u32 s7, $0x1;
	s7 =	sadd.s32 s21, s5  }
0x9f: {  	[timem:s9], [sflag:s22] =	dma.local [hbm:s7], s20  }
0xa0: {  	_ =	swait.ge [sflag:s22], s20  }
0xa1: {  	s6 =	ssub.s32 $0x0, s20;
	[sflag:s22] =	ssyncset.done $0x0  }
0xa2: {  	[sflag:s22] =	ssyncadd.s32 s6;
	_ =	sdelay $0x1  }
0xa3: {  	s23 =	simm.s32 $0x1B8B  }
0xa4: {  	_ =	swait.ge [sflag:s23], $0x1  }
0xa5: {  	[sflag:s23] =	ssyncset.done $0x0  }
0xa6: {  	s25 =	simm.s32 $0x1B8E;
	s24 =	sld [smem:$0x3FFE];
	[sflag:s23] =	ssyncadd.s32 $0xFFFFFFFF  }
0xa7: {  	s26 =	simm.s32 $execute0_lowered;
	[smem:$0x3FD2] =	sst s25  }
0xa8: {  	s7 =	sshll.u32 s26, $0x1;
	_ =	strace $0x80000046;
	[dreg:$0x1] =	wrdreg $0xFFFFFFFF  }
0xa9: {  	s28 =	simm.s32 $_size_execute0_lowered;
	s5 =	sadd.s32 s5, s7;
	[dreg:$0x0] =	wrdreg $0x0  }
0xaa: {  	s7 =	sshll.u32 s28, $0x1;
	[dreg:$0x2] =	wrdreg s5  }
0xab: {  	[dreg:$0x3] =	wrdreg s7  }
0xac: {  	[dreg:$0x4] =	wrdreg $0xC0  }
0xad: {  	_ =	task [dreg:s9], $0x5FFFF  }
0xae: {  	[dreg:$0x1] =	wrdreg $0xFFFFFFFF  }
0xaf: {  	[dreg:$0x0] =	wrdreg $0x60  }
0xb0: {  	[dreg:$0x2] =	wrdreg s24  }
0xb1: {  	[dreg:$0x3] =	wrdreg s2  }
0xb2: {  	[dreg:$0x4] =	wrdreg s18  }
0xb3: {  	[dreg:$0x5] =	wrdreg s4  }
0xb4: {  	[dreg:$0x6] =	wrdreg $0x9  }
0xb5: {  	_ =	task.clear_ibuf [dreg:s9], $0x7FFFF;
	_ =	strace $0x90000046  }
0xb6: {  	s29 =	simm.s32 $0x9;
	_ =	strace $0x80000048  }
0xb7: {  	_ =	swait.ge [sflag:s29], $0x1  }
0xb8: {  	[sflag:s29] =	ssyncadd.s32 $0xFFFFFFFF  }
0xb9: {  	_ =	strace $0x90000048  }
0xba: {  	_ =	sfence  }
0xbb: {  	s30 =	sld [smem:$0x0];
	_ =	sdelay $0x2  }
0xbc: {  	s31 =	sshll.u32 s1, $0xD;
	s1 =	sshrl.u32 s1, $0x2  }
0xbd: {  	s3 =	sand.u32 $0x4000, s31;
	s1 =	sadd.s32 s1, s30  }
0xbe: {  	s0 =	sor.u32 s3, s0;
	s1 =	sshll.u32 s1, $0x11  }
0xbf: {  	s0 =	sor.u32 s1, s0  }
0xc0: {  	s0 =	sadd.s32 $0x8F2B, s0  }
0xc1: {  	[sflag:s0] =	ssyncadd.remote.s32 $0x1  }
0xc2: {  	_ =	sfence.sel $0xFFFF  }
0xc3: {  	[dreg:$0x0] =	wrdreg $0xFFFFFFFF;
	(pc) =	sbr.abs _section_cstart, $3  }
0xc4: {  	[dreg:$0x1] =	wrdreg $0xFFFFFFFF  }
0xc5: {  	_ =	task.clear_ibuf [dreg:s9], $0x2FFFF;
	_ =	strace $0x9FFFFFFF  }
0xc6: {  	(tm) =	ssettm $0x7FFFFFFF  }
0xc7: {  	_ =	shalt  }
tec
execute0_lowered:
.L_overlay_start_1:
0x0: {  	(tag) =	ssettag $0x1  }
0x1: {  	s0 =	rddreg [dreg:$0x0];
	s1 =	srdreg.scid  }
0x2: {  	s13 =	stileid.u32;
	s4 =	rddreg [dreg:$0x3];
	s5 =	simm.s32 $0x0  }
0x3: {  	s15 =	simm.s32 $0x2;
	s18 =	simm.s32 $0x4CD0;
	s19 =	simm.s32 $0x4D10  }
0x4: {  	s20 =	simm.s32 $0x140;
	s21 =	simm.s32 $0x4D50;
	s22 =	simm.s32 $0x1  }
0x5: {  	s23 =	simm.s32 $0x9D50;
	s24 =	simm.s32 $0x0;
	s3 =	smul.u32 $0x320000, s13  }
0x6: {  	s1 =	sand.u32 $0x1, s1;
	s2 =	sshll.u32 s13, $0x1;
	s13 =	smul.u32 $0x3200, s13  }
0x7: {  	[smem:$0x7FF] =	sst s5;
	s7 =	sadd.s32 $0x7400, s0;
	s12 =	smul.u32 $0x190000, s1  }
0x8: {  	s2 =	sor.u32 s1, s2;
	s11 =	ssub.s32 $0x2, s1;
	s1 =	smul.u32 $0x1900, s1  }
0x9: {  	s8 =	sadd.s32 $0xF43400, s0;
	s9 =	sadd.s32 $0xD800, s0;
	s6 =	smul.u32 $0x1900, s2  }
0xa: {  	s10 =	sadd.s32 $0xE800, s0;
	_ =	strace $0x80000047;
	s30 =	sshrl.u32 s11, $0x1  }
0xb: {  	s3 =	sadd.s32 s12, s3;
	s1 =	sadd.s32 s1, s13;
	s2 =	sshrl.u32 s6, $0x3  }
0xc: {  	s31 =	sshrl.u32 s3, $0x2;
	s2 =	sadd.s32 s2, s0;
	s0 =	ssub.s32 s11, s30  }
0xd: {  	s11 =	sadd.s32 $0x1000, s2;
	s12 =	smax.u32 s0, $0x1;
	s0 =	sor.u32 $0x1A50, s31  }
.LBB2_1:
0xe: {  	[tilespmem:s20], [sflag:$0x2] =	stream.linear.gather [hbm4b:s11+s5], $0x1900, $0x38;
	[tilespmem:$0xED50] =	vst v63  }
0xf: {  	_ =	swait.ge [sflag:s15], $0x1900  }
0x10: {  	[sflag:s15] =	ssyncset.done $0x0  }
0x11: {  	s2 =	simm.s32 $0x1A50;
	[sflag:s15] =	ssyncadd.s32 $0xFFFFE700  }
0x12: {  	[tilespmem:s2], [sflag:$0x2] =	stream.linear.gather [hbm4b:s9+s5], $0x3200, $0x38;
	[tilespmem:$0xED50] =	vst v63  }
0x13: {  	_ =	swait.ge [sflag:s15], $0x3200  }
0x14: {  	[sflag:s15] =	ssyncset.done $0x0  }
0x15: {  	s28 =	simm.s32 $0x4C50;
	[sflag:s15] =	ssyncadd.s32 $0xFFFFCE00  }
0x16: {  	[tilespmem:s28], [sflag:$0x2] =	stream.linear.gather [hbm4b:s10+s5], $0x80, $0x38;
	[tilespmem:$0xED50] =	vst v63  }
0x17: {  	_ =	swait.ge [sflag:s15], $0x80  }
0x18: {  	[sflag:s15] =	ssyncset.done $0x0  }
0x19: {  	[sflag:s15] =	ssyncadd.s32 $0xFFFFFF80  }
0x1a: {  	s30 =	rddreg [dreg:$0x1]  }
0x1b: {  	[tilespmem:s18], [sflag:$0x2] =	stream.linear.gather [hbm4b:s30+s5], $0x40, $0x38;
	[tilespmem:$0xED50] =	vst v63  }
0x1c: {  	_ =	swait.ge [sflag:s15], $0x40  }
0x1d: {  	[sflag:s15] =	ssyncset.done $0x0  }
0x1e: {  	[sflag:s15] =	ssyncadd.s32 $0xFFFFFFC0  }
0x1f: {  	s31 =	rddreg [dreg:$0x2]  }
0x20: {  	[tilespmem:s19], [sflag:$0x2] =	stream.linear.gather [hbm4b:s31+s5], $0x40, $0x38;
	[tilespmem:$0xED50] =	vst v63  }
0x21: {  	_ =	swait.ge [sflag:s15], $0x40  }
0x22: {  	[sflag:s15] =	ssyncset.done $0x0  }
0x23: {  	[sflag:s15] =	ssyncadd.s32 $0xFFFFFFC0  }
0x24: {  	v0 =	vld [tilespmem:$0x4CD0]  }
0x25: {  	v1 =	vld [tilespmem:$0x4CE0]  }
0x26: {  	v2 =	vld [tilespmem:$0x4CF0]  }
0x27: {  	v3 =	vld [tilespmem:$0x4D00]  }
0x28: {  	v4 =	vld [tilespmem:$0x4D10]  }
0x29: {  	v5 =	vld [tilespmem:$0x4D20]  }
0x2a: {  	s3 =	simm.s32 $0x140;
	v6 =	vld [tilespmem:$0x4D30]  }
0x2b: {  	s14 =	smov.u32 s1;
	s13 =	smov.u32 s0;
	s29 =	simm.s32 $0x0;
	v7 =	vld [tilespmem:$0x4D40]  }
.LBB2_2:
0x2c: {  	s2 =	smul.u32 $0x140, s29;
	_ =	sdelay $0x1  }
0x2d: {  	s30 =	sadd.s32 s6, s2  }
0x2e: {  	s2 =	sshrl.u32 s30, $0x3  }
0x2f: {  	s25 =	simm.s32 $0x0;
	s2 =	sadd.s32 s7, s2  }
0x30: {  	[tilespmem:s25], [sflag:$0x2] =	stream.linear.gather [hbm4b:s2+s25], $0x140, $0x38;
	[tilespmem:$0xED50] =	vst v63  }
0x31: {  	_ =	swait.ge [sflag:s15], $0x140  }
0x32: {  	[sflag:s15] =	ssyncset.done $0x0  }
0x33: {  	[sflag:s15] =	ssyncadd.s32 $0xFFFFFEC0  }
0x34: {  	[tilespmem:s21], [sflag:$0x1] =	stream.indirect.gather [hbm4b:s8+s20], $0x40, s25, s20, $0xb8;
	[tilespmem:$0xED50] =	vst v63  }
0x35: {  	_ =	swait.ge [sflag:s22], $0x5000  }
0x36: {  	[sflag:s22] =	ssyncset.done $0x0  }
0x37: {  	[sflag:s22] =	ssyncadd.s32 $0xFFFFB000  }
0x38: {  	v8 =	vld [tilespmem:s3+$0x0];
	_ =	sdelay $0x4  }
0x39: {  	(v2sf) =	vpush v8, $0x0;
	_ =	sdelay $0x4  }
0x3a: {  	s16 =	smulhi.u32 $0x51EB851F, s14;
	_ =	sdelay $0x1  }
0x3b: {  	s2 =	sshrl.u32 s16, $0x6  }
0x3c: {  	s2 =	smul.u32 $0xFFFF3800, s2  }
0x3d: {  	s31 =	simm.s32 $0x0  }
0x3e: {  	s2 =	sshra.s32 s2, $0x2;
	v9 =	vld [tilespmem:s31+$0x4D60]  }
0x3f: {  	s2 =	sadd.s32 s2, s13;
	v10 =	vld [tilespmem:s31+$0x4D70]  }
0x40: {  	v11 =	vld [tilespmem:s2+$0x20]  }
0x41: {  	v12 =	vld [tilespmem:s2+$0x30]  }
0x42: {  	v13 =	vld [tilespmem:s31+$0x4D80]  }
0x43: {  	v14 =	vld [tilespmem:s2+$0x10];
	s17 =	spop (v2sf)  }
0x44: {  	v15 =	vld [tilespmem:s31+$0x4D50];
	s25 =	sshll.u32 s17, $0x8  }
0x45: {  	v8 =	vld [tilespmem:s2+$0x0];
	s26 =	sshra.s32 s25, $0x2  }
0x46: {  	v16 =	vld [tilespmem:s26+$0x4C80]  }
0x47: {  	v17 =	vld [tilespmem:s26+$0x4C70]  }
0x48: {  	v18 =	vld [tilespmem:s26+$0x4C60]  }
0x49: {  	v19 =	vld [tilespmem:s26+$0x4C50];
	_ =	sdelay $0x1  }
0x4a: {  	v10 =	vadd.f32 v11, v10;
	v11 =	vadd.f32 v12, v13  }
0x4b: {  	v9 =	vadd.f32 v14, v9;
	v8 =	vadd.f32 v8, v15  }
0x4c: {  	v11 =	vadd.f32 v16, v11;
	v10 =	vadd.f32 v17, v10  }
0x4d: {  	v13 =	vadd.f32 v18, v9;
	v8 =	vadd.f32 v19, v8  }
0x4e: {  	v9 =	vmul.f32 v10, v10  }
0x4f: {  	v12 =	vadd.f32 v11, v10;
	v14 =	vmul.f32 v11, v11;
	v15 =	vadd.f32 v13, v8  }
0x50: {  	v62 =	vmul.f32 v8, v8;
	v63 =	vmul.f32 v13, v13  }
0x51: {  	v12 =	vadd.f32 v12, v15  }
0x52: {  	v9 =	vadd.f32 v14, v9;
	v14 =	vadd.f32 v63, v62  }
0x53: {  	(xrf2) =	vadd.scan.msk.f32 $0xffff, v12  }
0x54: {  	v9 =	vadd.f32 v9, v14;
	_ =	sdelay $0x1  }
0x55: {  	(xrf2) =	vadd.scan.msk.f32 $0xffff, v9;
	_ =	sdelay $0x6  }
0x56: {  	v9, _, _ =	vpop (xrf2)  }
0x57: {  	(v2sf) =	vpush v9, $0xF;
	_ =	sdelay $0x1  }
0x58: {  	v9, _, _ =	vpop (xrf2)  }
0x59: {  	(v2sf) =	vpush v9, $0xF;
	_ =	sdelay $0xb  }
0x5a: {  	s16 =	spop (v2sf)  }
0x5b: {  	s2 =	smul.f32 $1.562500000e-02, s16;
	_ =	sdelay $0x1  }
0x5c: {  	s26 =	spop (v2sf);
	s17 =	smul.f32 s2, s2  }
0x5d: {  	s26 =	smul.f32 $1.562500000e-02, s26;
	_ =	sdelay $0x1  }
0x5e: {  	s25 =	ssub.f32 s26, s17;
	_ =	sdelay $0x1  }
0x5f: {  	s25 =	sadd.f32 $9.999999970e-07, s25;
	_ =	sdelay $0x1  }
0x60: {  	v9 =	vmov s25  }
0x61: {  	v12 =	vshra.s32 v9, $0x1;
	v9 =	vmul.f32 $5.000000000e-01, v9  }
0x62: {  	v12 =	vsub.s32 $0x5F3759DF, v12  }
0x63: {  	v14 =	vmul.f32 v12, v9;
	_ =	sdelay $0x1  }
0x64: {  	v14 =	vmul.f32 v12, v14;
	_ =	sdelay $0x1  }
0x65: {  	v14 =	vsub.f32 $1.500000000e+00, v14;
	_ =	sdelay $0x1  }
0x66: {  	v12 =	vmul.f32 v12, v14;
	_ =	sdelay $0x1  }
0x67: {  	v14 =	vmul.f32 v12, v9;
	_ =	sdelay $0x1  }
0x68: {  	v14 =	vmul.f32 v14, v12;
	_ =	sdelay $0x1  }
0x69: {  	v14 =	vsub.f32 $1.500000000e+00, v14;
	_ =	sdelay $0x1  }
0x6a: {  	v12 =	vmul.f32 v14, v12;
	_ =	sdelay $0x1  }
0x6b: {  	v14 =	vmov s2;
	v15 =	vmul.f32 v12, v9  }
0x6c: {  	s28 =	smov.u32 s13;
	v10 =	vsub.f32 v10, v14;
	v11 =	vsub.f32 v11, v14  }
0x6d: {  	s26 =	smov.u32 s14;
	s25 =	smov.u32 s3;
	s2 =	simm.s32 $0x100;
	v9 =	vsub.f32 v8, v14;
	v8 =	vsub.f32 v13, v14;
	v13 =	vmul.f32 v15, v12  }
.LBB2_3:
0x6e: {  	s28 =	sadd.s32 $0x40, s28;
	s26 =	sadd.s32 $0x1, s26;
	s25 =	sadd.s32 $0x1, s25  }
0x6f: {  	p0 =	sne.s32 s2, $0x13F00;
	s16 =	smov.u32 s2;
	s2 =	sadd.s32 $0x100, s2;
	v13 =	vsub.f32 $1.500000000e+00, v13  }
0x70: {  	_ = 	snop  }
0x71: {  	v12 =	vmul.f32 v13, v12;
	_ =	sdelay $0x1  }
0x72: {  	v9 =	vmul.f32 v12, v9;
	v8 =	vmul.f32 v12, v8  }
0x73: {  	v10 =	vmul.f32 v12, v10;
	v11 =	vmul.f32 v12, v11  }
0x74: {  	v9 =	vmul.f32 v9, v0;
	v8 =	vmul.f32 v8, v1  }
0x75: {  	v10 =	vmul.f32 v10, v2;
	v11 =	vmul.f32 v11, v3  }
0x76: {  	v9 =	vadd.f32 v9, v4;
	v8 =	vadd.f32 v8, v5  }
0x77: {  	v10 =	vadd.f32 v10, v6;
	v11 =	vadd.f32 v11, v7  }
0x78: {  	[tilespmem:s31+$0x9D50] =	vst v9  }
0x79: {  	[tilespmem:s31+$0x9D70] =	vst v10  }
0x7a: {  	[tilespmem:s31+$0x9D80] =	vst v11  }
0x7b: {  	[tilespmem:s31+$0x9D60] =	vst v8  }
0x7c: {  	v8 =	vld [tilespmem:s25+$0x0];
	_ =	sdelay $0x4  }
0x7d: {  	(v2sf) =	vpush v8, $0x0;
	_ =	sdelay $0x2  }
0x7e: {  	s31 =	smulhi.u32 $0x51EB851F, s26;
	_ =	sdelay $0x1  }
0x7f: {  	s31 =	sshrl.u32 s31, $0x6  }
0x80: {  	s31 =	smul.u32 $0xFFFF3800, s31;
	_ =	sdelay $0x1  }
0x81: {  	s31 =	sshra.s32 s31, $0x2  }
0x82: {  	s17 =	sadd.s32 s31, s28  }
0x83: {  	s31 =	sshra.s32 s16, $0x2;
	v8 =	vld [tilespmem:s17+$0x0]  }
0x84: {  	v9 =	vld [tilespmem:s31+$0x4D60]  }
0x85: {  	v10 =	vld [tilespmem:s31+$0x4D70]  }
0x86: {  	v11 =	vld [tilespmem:s17+$0x20]  }
0x87: {  	v12 =	vld [tilespmem:s17+$0x30]  }
0x88: {  	v13 =	vld [tilespmem:s31+$0x4D80];
	s16 =	spop (v2sf)  }
0x89: {  	s16 =	sshll.u32 s16, $0x8;
	v14 =	vld [tilespmem:s17+$0x10]  }
0x8a: {  	v15 =	vld [tilespmem:s31+$0x4D50];
	s16 =	sshra.s32 s16, $0x2  }
0x8b: {  	v10 =	vadd.f32 v11, v10;
	v11 =	vld [tilespmem:s16+$0x4C80]  }
0x8c: {  	v16 =	vld [tilespmem:s16+$0x4C70]  }
0x8d: {  	v17 =	vld [tilespmem:s16+$0x4C60];
	v12 =	vadd.f32 v12, v13  }
0x8e: {  	v13 =	vld [tilespmem:s16+$0x4C50];
	v9 =	vadd.f32 v14, v9  }
0x8f: {  	v8 =	vadd.f32 v8, v15  }
0x90: {  	v11 =	vadd.f32 v11, v12  }
0x91: {  	v10 =	vadd.f32 v16, v10  }
0x92: {  	v12 =	vadd.f32 v17, v9  }
0x93: {  	v8 =	vadd.f32 v13, v8;
	v9 =	vmul.f32 v10, v10  }
0x94: {  	v14 =	vmul.f32 v11, v11;
	v13 =	vadd.f32 v11, v10  }
0x95: {  	v17 =	vmul.f32 v12, v12;
	v15 =	vadd.f32 v12, v8;
	v16 =	vmul.f32 v8, v8  }
0x96: {  	v9 =	vadd.f32 v14, v9  }
0x97: {  	v13 =	vadd.f32 v13, v15;
	v14 =	vadd.f32 v17, v16;
	_ =	sdelay $0x1  }
0x98: {  	v9 =	vadd.f32 v9, v14;
	(xrf2) =	vadd.scan.msk.f32 $0xffff, v13;
	_ =	sdelay $0x2  }
0x99: {  	(xrf2) =	vadd.scan.msk.f32 $0xffff, v9;
	_ =	sdelay $0x6  }
0x9a: {  	v9, _, _ =	vpop (xrf2)  }
0x9b: {  	(v2sf) =	vpush v9, $0xF;
	_ =	sdelay $0x1  }
0x9c: {  	v9, _, _ =	vpop (xrf2)  }
0x9d: {  	(v2sf) =	vpush v9, $0xF;
	_ =	sdelay $0xb  }
0x9e: {  	s16 =	spop (v2sf)  }
0x9f: {  	s16 =	smul.f32 $1.562500000e-02, s16;
	_ =	sdelay $0x1  }
0xa0: {  	s17 =	smul.f32 s16, s16;
	v13 =	vmov s16;
	s16 =	spop (v2sf)  }
0xa1: {  	s16 =	smul.f32 $1.562500000e-02, s16;
	v9 =	vsub.f32 v8, v13;
	v8 =	vsub.f32 v12, v13  }
0xa2: {  	v10 =	vsub.f32 v10, v13;
	v11 =	vsub.f32 v11, v13  }
0xa3: {  	s16 =	ssub.f32 s16, s17;
	_ =	sdelay $0x1  }
0xa4: {  	s16 =	sadd.f32 $9.999999970e-07, s16;
	_ =	sdelay $0x1  }
0xa5: {  	v12 =	vmov s16  }
0xa6: {  	v13 =	vshra.s32 v12, $0x1;
	v14 =	vmul.f32 $5.000000000e-01, v12  }
0xa7: {  	v12 =	vsub.s32 $0x5F3759DF, v13  }
0xa8: {  	v13 =	vmul.f32 v12, v14;
	_ =	sdelay $0x1  }
0xa9: {  	v13 =	vmul.f32 v12, v13;
	_ =	sdelay $0x1  }
0xaa: {  	v13 =	vsub.f32 $1.500000000e+00, v13;
	_ =	sdelay $0x1  }
0xab: {  	v12 =	vmul.f32 v12, v13;
	_ =	sdelay $0x1  }
0xac: {  	v13 =	vmul.f32 v12, v14;
	_ =	sdelay $0x1  }
0xad: {  	v13 =	vmul.f32 v13, v12;
	_ =	sdelay $0x1  }
0xae: {  	v13 =	vsub.f32 $1.500000000e+00, v13;
	_ =	sdelay $0x1  }
.Ltmp0:
0xaf: {  	v12 =	vmul.f32 v13, v12;
	(pc) =	sbr.rel @p0 .LBB2_3-.Ltmp0, $3  }
0xb0: {  	_ = 	snop  }
0xb1: {  	v13 =	vmul.f32 v12, v14;
	_ =	sdelay $0x1  }
0xb2: {  	v13 =	vmul.f32 v13, v12  }
0xb3: {  	_ = 	snop  }
0xb4: {  	v13 =	vsub.f32 $1.500000000e+00, v13;
	_ =	sdelay $0x1  }
0xb5: {  	v12 =	vmul.f32 v13, v12;
	_ =	sdelay $0x1  }
0xb6: {  	v9 =	vmul.f32 v12, v9  }
0xb7: {  	v10 =	vmul.f32 v12, v10  }
0xb8: {  	v11 =	vmul.f32 v12, v11;
	v9 =	vmul.f32 v9, v0  }
0xb9: {  	v8 =	vmul.f32 v12, v8;
	v10 =	vmul.f32 v10, v2  }
0xba: {  	v11 =	vmul.f32 v11, v3;
	v9 =	vadd.f32 v9, v4  }
0xbb: {  	v8 =	vmul.f32 v8, v1;
	v10 =	vadd.f32 v10, v6  }
0xbc: {  	v11 =	vadd.f32 v11, v7;
	[tilespmem:s31+$0x9D50] =	vst v9  }
0xbd: {  	s29 =	sadd.s32 $0x1, s29;
	v8 =	vadd.f32 v8, v5;
	[tilespmem:s31+$0x9D70] =	vst v10  }
0xbe: {  	s2 =	sshll.u32 s30, $0x3;
	p0 =	sne.s32 s29, $0x14;
	[tilespmem:s31+$0x9D80] =	vst v11  }
.Ltmp1:
0xbf: {  	s2 =	sadd.s32 s4, s2;
	[tilespmem:s31+$0x9D60] =	vst v8;
	(pc) =	sbr.rel @p0 .LBB2_2-.Ltmp1, $4  }
0xc0: {  	[hbm4b:s2+s5] =	stream.linear.scatter [tilespmem:s23], [sflag:$0x2], $0x5000, $0x38;
	[tilespmem:$0xED50] =	vst v63  }
0xc1: {  	_ =	swait.ge [sflag:s15], $0x5000  }
0xc2: {  	s13 =	sadd.s32 $0x5000, s13;
	[sflag:s15] =	ssyncset.done $0x0  }
0xc3: {  	s14 =	sadd.s32 $0x140, s14;
	s3 =	sadd.s32 $0x140, s3;
	[sflag:s15] =	ssyncadd.s32 $0xFFFFB000  }
0xc4: {  	s24 =	sadd.s32 $0x1, s24  }
0xc5: {  	p0 =	sne.s32 s24, s12  }
.Ltmp2:
0xc6: {  	_ = 	snop;
	(pc) =	sbr.rel @p0 .LBB2_1-.Ltmp2, $1  }
0xc7: {  	_ =	sdelay $0x3  }
0xc8: {  	_ =	sfence.sel $0x180000  }
0xc9: {  	[bflag:$0x0] =	sbarrier.arrive $0xFFFF  }
0xca: {  	_ =	strace $0x90000047  }
0xcb: {  	s0 =	stileid.u32;
	[bflag:$0x2] =	sbarrier.arrive $0xFFFF  }
0xcc: {  	p0 =	sne.s32 s0, $0x0;
	s0 =	rddreg [dreg:$0x4]  }
0xcd: {  	s0 =	sadd.s32 @!p0 $0x100000, s0  }
0xce: {  	[sflag:s0] =	ssyncadd.tile.s32 @!p0 $0x1;
	_ =	shalt  }
.Lfunc_end2:
_tile_overlayer_lowered:
.L_overlay_start_2:
0xcf: {  	(tag) =	ssettag $0x2  }
0xd0: {  	s0 =	rddreg [dreg:$0x0];
	s2 =	stileid.u32  }
0xd1: {  	s1 =	rddreg [dreg:$0x1];
	p0 =	sne.s32 s2, $0x0  }
0xd2: {  	s3 =	rddreg [dreg:$0x2];
	[bflag:$0x3] =	sbarrier.arrive $0xFFFF;
	s2 =	simm.s32 @!p0 $0x1C02  }
0xd3: {  	[timem:s3], [sflag:s2] =	dma.local @!p0 [hbm:s0], s1  }
0xd4: {  	s0 =	simm.s32 @!p0 $0x2  }
0xd5: {  	_ =	swait.ge @!p0 [sflag:s0], s1  }
0xd6: {  	s1 =	ssub.s32 @!p0 $0x0, s1;
	[sflag:s0] =	ssyncset.done @!p0 $0x0  }
0xd7: {  	[sflag:s0] =	ssyncadd.s32 @!p0 s1  }
0xd8: {  	[bflag:$0x3] =	sbarrier.arrive $0xFFFF  }
0xd9: {  	_ =	shalt  }

// kernel: sparse-core-data-format-call.cloned.1.call-start
scs
called_computation_lowered:
.L_overlay_start_0:
0x0: {  	s2 =	sld [smem:$0x3FD9]  }
0x1: {  	s3 =	sld [smem:$0x3FFE];
	_ =	sdelay $0x1  }
0x2: {  	s1 =	srdreg.scid  }
0x3: {  	s0 =	sand.u32 $0x1, s1  }
0x4: {  	s18 =	sshll.u32 s0, $0xA;
	s2 =	sadd.s32 s3, s2  }
0x5: {  	s2 =	sadd.s32 s2, s18  }
0x6: {  	[smem:$0x3FC1] =	sst s2  }
0x7: {  	_ = 	snop  }
0x8: {  	s2 =	sld [smem:$0x3FD0];
	(tm) =	ssettm $0x1  }
0x9: {  	s19 =	sld [smem:$0x3FFB];
	_ =	sdelay $0x3  }
0xa: {  	_ =	strace s19  }
0xb: {  	s3 =	sld [smem:$0x3FFC];
	_ =	sdelay $0x3  }
0xc: {  	_ =	strace s3  }
0xd: {  	s3 =	sld [smem:$0x3FFD];
	_ =	sdelay $0x3  }
0xe: {  	_ =	strace s3  }
0xf: {  	_ =	strace $0x8FFFFFFF  }
0x10: {  	s20 =	sld [smem:$0x3FDB];
	_ =	sdelay $0x1  }
0x11: {  	s4 =	simm.s32 $_scs_section_size  }
0x12: {  	s5 =	simm.s32 $_size__tile_overlayer_lowered;
	s6 =	simm.s32 $_tile_overlayer_lowered  }
0x13: {  	s23 =	simm.s32 $0x1BFF;
	s22 =	sshll.u32 s6, $0x1;
	s3 =	sadd.s32 s4, s20  }
0x14: {  	s7 =	simm.s32 $0x0;
	s21 =	sshll.u32 s5, $0x1;
	s5 =	sadd.s32 s22, s3  }
0x15: {  	[timem:s7], [sflag:s23] =	dma.local [hbm:s5], s21  }
0x16: {  	_ =	swait.ge [sflag:s23], s21  }
0x17: {  	s4 =	ssub.s32 $0x0, s21;
	[sflag:s23] =	ssyncset.done $0x0  }
0x18: {  	[sflag:s23] =	ssyncadd.s32 s4;
	_ =	sdelay $0x1  }
0x19: {  	s24 =	simm.s32 $0x1B8B  }
0x1a: {  	_ =	swait.ge [sflag:s24], $0x1  }
0x1b: {  	[sflag:s24] =	ssyncset.done $0x0  }
0x1c: {  	s26 =	simm.s32 $0x1B8E;
	s25 =	sld [smem:$0x3FFE];
	[sflag:s24] =	ssyncadd.s32 $0xFFFFFFFF  }
0x1d: {  	s27 =	simm.s32 $execute0_lowered;
	[smem:$0x3FD2] =	sst s26  }
0x1e: {  	s5 =	sshll.u32 s27, $0x1;
	_ =	strace $0x80000049;
	[dreg:$0x1] =	wrdreg $0xFFFFFFFF  }
0x1f: {  	s28 =	simm.s32 $_size_execute0_lowered;
	s3 =	sadd.s32 s3, s5;
	[dreg:$0x0] =	wrdreg $0x0  }
0x20: {  	s5 =	sshll.u32 s28, $0x1;
	[dreg:$0x2] =	wrdreg s3  }
0x21: {  	[dreg:$0x3] =	wrdreg s5  }
0x22: {  	[dreg:$0x4] =	wrdreg $0xC0  }
0x23: {  	_ =	task [dreg:s7], $0x5FFFF  }
0x24: {  	[dreg:$0x1] =	wrdreg $0xFFFFFFFF  }
0x25: {  	[dreg:$0x0] =	wrdreg $0x60  }
0x26: {  	[dreg:$0x2] =	wrdreg s25  }
0x27: {  	[dreg:$0x3] =	wrdreg s2  }
0x28: {  	[dreg:$0x4] =	wrdreg $0x9  }
0x29: {  	_ =	task.clear_ibuf [dreg:s7], $0x5FFFF;
	_ =	strace $0x90000049  }
0x2a: {  	s29 =	simm.s32 $0x9;
	_ =	strace $0x8000004B  }
0x2b: {  	_ =	swait.ge [sflag:s29], $0x1  }
0x2c: {  	[sflag:s29] =	ssyncadd.s32 $0xFFFFFFFF  }
0x2d: {  	_ =	strace $0x9000004B  }
0x2e: {  	_ =	sfence  }
0x2f: {  	s30 =	sld [smem:$0x0];
	_ =	sdelay $0x2  }
0x30: {  	s31 =	sshll.u32 s1, $0xD;
	s1 =	sshrl.u32 s1, $0x2  }
0x31: {  	s3 =	sand.u32 $0x4000, s31;
	s1 =	sadd.s32 s1, s30  }
0x32: {  	s0 =	sor.u32 s3, s0;
	s1 =	sshll.u32 s1, $0x11  }
0x33: {  	s0 =	sor.u32 s1, s0  }
0x34: {  	s0 =	sadd.s32 $0x8F2B, s0  }
0x35: {  	[sflag:s0] =	ssyncadd.remote.s32 $0x1  }
0x36: {  	_ =	sfence.sel $0xFFFF  }
0x37: {  	[dreg:$0x0] =	wrdreg $0xFFFFFFFF;
	(pc) =	sbr.abs _section_cstart, $3  }
0x38: {  	[dreg:$0x1] =	wrdreg $0xFFFFFFFF  }
0x39: {  	_ =	task.clear_ibuf [dreg:s7], $0x2FFFF;
	_ =	strace $0x9FFFFFFF  }
0x3a: {  	(tm) =	ssettm $0x7FFFFFFF  }
0x3b: {  	_ =	shalt  }
tec
execute0_lowered:
.L_overlay_start_1:
0x0: {  	(tag) =	ssettag $0x1  }
0x1: {  	s0 =	stileid.u32;
	s6 =	rddreg [dreg:$0x0]  }
0x2: {  	s2 =	rddreg [dreg:$0x1];
	s5 =	srdreg.scid  }
0x3: {  	s31 =	simm.s32 $0x2;
	s13 =	simm.s32 $0x0;
	s1 =	sshll.u32 s0, $0x7  }
0x4: {  	s14 =	simm.s32 $0x0;
	s12 =	simm.s32 $0x0;
	s3 =	sand.u32 $0x380, s1  }
0x5: {  	s5 =	sshll.u32 s5, $0x4;
	s6 =	sadd.s32 $0x1000, s6;
	s4 =	ssub.s32 $0x400, s3  }
0x6: {  	s1 =	rddreg [dreg:$0x2];
	_ =	strace $0x8000004A;
	s7 =	sand.u32 $0x380, s4  }
0x7: {  	s5 =	sand.u32 $0x10, s5;
	p0 =	sne.s32 s7, $0x0;
	s7 =	simm.s32 $0x1  }
.Ltmp0:
0x8: {  	s8 =	sshrl.u32 s4, $0xA;
	s7 =	simm.s32 @!p0 $0x0;
	(pc) =	sbr.rel .LBB1_1-.Ltmp0, $4  }
0x9: {  	s9 =	sor.u32 s0, s5;
	s4 =	simm.s32 $0x1;
	s30 =	sadd.s32 s7, s8  }
0xa: {  	s11 =	smov.u32 s3;
	[sflag:s4] =	ssyncpa.u1 $0x0;
	s5 =	smul.u32 $0x32, s30  }
0xb: {  	[sflag:s31] =	ssyncpa.u1 $0x0;
	p0 =	por $0x0, $0x0;
	s7 =	sshrl.u32 s9, $0x3  }
0xc: {  	s9 =	simm.s32 $0x2000;
	s10 =	smov.u32 s7;
	s8 =	sor.u32 $0x1, s5  }
.LBB1_4:
0xd: {  	s17 =	sand.u32 $0x1F80, s14;
	s13 =	sshll.u32 s13, $0xD  }
0xe: {  	[tilespmem:s16+$0x810 ss:$0x81] =	vst.msk $0xffff, v2;
	s18 =	sshrl.u32 s14, $0x3;
	s31 =	sand.u32 $0x7, s14;
	s17 =	sadd.s32 s2, s17  }
0xf: {  	[tilespmem:s16+$0x1020 ss:$0x81] =	vst.msk $0xffff, v0;
	s18 =	sand.u32 $0xF, s18;
	s14 =	sshll.u32 s31, $0x12;
	s13 =	sadd.s32 s13, s17  }
0x10: {  	[tilespmem:s16+$0x0 ss:$0x81] =	vst.msk $0xffff, v1;
	s14 =	sor.u32 $0x400, s14;
	s13 =	sadd.s32 s18, s13  }
0x11: {  	[hbm4b:s13+s14] =	stream.strided.scatter [tilespmem:s15], [sflag:$0x2], $0x2000, s9, s14, $0x20;
	[tilespmem:$0x8080] =	vst v63  }
.LBB1_5:
0x12: {  	s15 =	sadd.s32 $0x4, s10  }
0x13: {  	s13 =	sadd.s32 $0x400, s11;
	s17 =	smov.u32 s11;
	p2 =	sgt.s32 s15, $0xC7  }
0x14: {  	s17 =	smov.u32 @p2 s13  }
0x15: {  	s15 =	smov.u32 @p2 s7;
	p2 =	sgt.s32 s17, $0x3FF  }
0x16: {  	s17 =	smov.u32 @p2 s3;
	p2 =	sne.s32 s12, s8  }
.Ltmp1:
0x17: {  	p1 =	slt.u32 s12, $0x2;
	(pc) =	sbr.rel @!p2 .LBB1_6-.Ltmp1, $4  }
0x18: {  	s16 =	simm.s32 @!p1 $0x2  }
0x19: {  	s14 =	smov.u32 s11;
	p0 =	por !p0, !p0;
	_ =	swait.ge @!p1 [sflag:s16], $0x2000  }
0x1a: {  	s13 =	smov.u32 s10;
	[sflag:s16] =	ssyncset.done @!p1 $0x0;
	s10 =	smov.u32 s15  }
0x1b: {  	s12 =	sadd.s32 $0x1, s12;
	[sflag:s16] =	ssyncadd.s32 @!p1 $0xFFFFE000;
	s11 =	smov.u32 s17  }
.LBB1_1:
0x1c: {  	p1 =	sge.u32 s12, s5  }
0x1d: {  	s15 =	sand.u32 @!p1 $0x1FFFFFF, s10  }
0x1e: {  	s16 =	smulhi.u32 @!p1 $0x147AE15, s15;
	_ =	sdelay $0x1  }
0x1f: {  	s16 =	smul.u32 @!p1 $0xC8, s16  }
0x20: {  	s17 =	sxor.u32 @!p1 $0xFFFFFFFF, s12;
	s18 =	smul.u32 @!p1 $0xC80, s11  }
0x21: {  	s31 =	sadd.s32 $0xFFFFFFFF, s12;
	s17 =	sshll.u32 @!p1 s17, $0xD;
	s15 =	ssub.s32 @!p1 s15, s16  }
0x22: {  	s16 =	sand.u32 @!p1 $0x2000, s17;
	s17 =	sadd.s32 @!p1 s6, s18;
	s15 =	sshll.u32 @!p1 s15, $0x4  }
0x23: {  	s18 =	simm.s32 @!p1 $0x6400;
	s15 =	sadd.s32 @!p1 s15, s17;
	s17 =	simm.s32 @!p1 $0x40  }
0x24: {  	[tilespmem:s16], [sflag:$0x1] =	stream.strided.gather @!p1 [hbm4b:s15+s17], $0x2000, s18, s17, $0x38;
	[tilespmem:$0x8080] =	vst v63  }
0x25: {  	p1 =	sge.u32 s31, s5  }
.Ltmp2:
0x26: {  	_ = 	snop;
	(pc) =	sbr.rel @p1 .LBB1_5-.Ltmp2, $1  }
0x27: {  	_ =	sdelay $0x3  }
0x28: {  	s15 =	simm.s32 $0x1  }
0x29: {  	_ =	swait.ge [sflag:s4], $0x2000;
	s15 =	simm.s32 @!p0 $0x0  }
0x2a: {  	[sflag:s4] =	ssyncset.done $0x0;
	s16 =	sshll.u32 s15, $0xD  }
0x2b: {  	[sflag:s4] =	ssyncadd.s32 $0xFFFFE000;
	s19 =	sor.u32 $0x20, s16  }
0x2c: {  	s15 =	smul.u32 $0x8100, s15;
	v3 =	vld [tilespmem:s19+$0x10]  }
0x2d: {  	s30 =	sand.u32 $0x1, s12;
	v2 =	vld [tilespmem:s19+$0xFFFFFFF0]  }
0x2e: {  	s16 =	smul.u32 $0x8100, s30;
	s15 =	sshrl.u32 s15, $0x2;
	v0 =	vld [tilespmem:s19+$0x0]  }
0x2f: {  	v1 =	vld [tilespmem:s19+$0xFFFFFFE0];
	s17 =	sor.u32 $0x4000, s15  }
0x30: {  	s31 =	sshrl.u32 s16, $0x2;
	s16 =	sadd.s32 $0x0, s17  }
0x31: {  	s18 =	simm.s32 $0x4;
	s19 =	sadd.s32 $0x40, s19;
	s15 =	sor.u32 $0x4000, s31;
	[tilespmem:s16+$0x1830 ss:$0x81] =	vst.msk $0xffff, v3  }
.LBB1_3:
0x32: {  	v3 =	vld [tilespmem:s19+$0x10];
	p1 =	sne.s32 s18, $0x1FC;
	[tilespmem:s16+$0x810 ss:$0x81] =	vst.msk $0xffff, v2;
	s20 =	smov.u32 s18;
	s18 =	sadd.s32 $0x4, s18  }
.Ltmp3:
0x33: {  	v2 =	vld [tilespmem:s19+$0xFFFFFFF0];
	[tilespmem:s16+$0x1020 ss:$0x81] =	vst.msk $0xffff, v0;
	(pc) =	sbr.rel @p1 .LBB1_3-.Ltmp3, $4  }
0x34: {  	v0 =	vld [tilespmem:s19+$0x0];
	[tilespmem:s16+$0x0 ss:$0x81] =	vst.msk $0xffff, v1  }
0x35: {  	s16 =	sshra.s32 s20, $0x2;
	v1 =	vld [tilespmem:s19+$0xFFFFFFE0]  }
0x36: {  	s16 =	sadd.s32 s16, s17  }
0x37: {  	s19 =	sadd.s32 $0x40, s19;
	[tilespmem:s16+$0x1830 ss:$0x81] =	vst.msk $0xffff, v3  }
.Ltmp4:
0x38: {  	_ = 	snop;
	(pc) =	sbr.rel .LBB1_4-.Ltmp4, $1  }
0x39: {  	_ =	sdelay $0x3  }
.LBB1_6:
0x3a: {  	_ =	sfence.sel $0x180000  }
0x3b: {  	s2 =	simm.s32 $0x1;
	[bflag:$0x0] =	sbarrier.arrive $0xFFFF  }
0x3c: {  	s31 =	simm.s32 $0x2;
	[sflag:s2] =	ssyncpa.u1 $0x1  }
0x3d: {  	[sflag:s31] =	ssyncpa.u1 $0x1  }
0x3e: {  	p0 =	sne.s32 s0, $0x0;
	_ =	strace $0x9000004A  }
0x3f: {  	s0 =	sadd.s32 @!p0 $0x100000, s1;
	[bflag:$0x2] =	sbarrier.arrive $0xFFFF  }
0x40: {  	[sflag:s0] =	ssyncadd.tile.s32 @!p0 $0x1;
	_ =	shalt  }
.Lfunc_end1:
_tile_overlayer_lowered:
.L_overlay_start_2:
0x41: {  	(tag) =	ssettag $0x2  }
0x42: {  	s0 =	rddreg [dreg:$0x0];
	s2 =	stileid.u32  }
0x43: {  	s1 =	rddreg [dreg:$0x1];
	p0 =	sne.s32 s2, $0x0  }
0x44: {  	s3 =	rddreg [dreg:$0x2];
	[bflag:$0x3] =	sbarrier.arrive $0xFFFF;
	s2 =	simm.s32 @!p0 $0x1C01  }
0x45: {  	[timem:s3], [sflag:s2] =	dma.local @!p0 [hbm:s0], s1  }
0x46: {  	s0 =	simm.s32 @!p0 $0x1  }
0x47: {  	_ =	swait.ge @!p0 [sflag:s0], s1  }
0x48: {  	s1 =	ssub.s32 @!p0 $0x0, s1;
	[sflag:s0] =	ssyncset.done @!p0 $0x0  }
0x49: {  	[sflag:s0] =	ssyncadd.s32 @!p0 s1  }
0x4a: {  	[bflag:$0x3] =	sbarrier.arrive $0xFFFF  }
0x4b: {  	_ =	shalt  }

</sc_bundles>
